<compile_context>
chip_gen: v7x
topology: tpu7x:2x2x1
jax: 0.10.2.dev20260603
libtpu: 0.0.44.dev20260713+nightly
codegen_flags: <defaults>
</compile_context>

<pallas_src>
import functools

import jax
import jax.numpy as jnp
from jax import lax
from jax.experimental import pallas as pl
from jax.experimental.pallas import tpu as pltpu
from jax.experimental.pallas import tpu_sc as plsc

VOCAB = 100000
EMBED = 512
B = 16
MAX_LEN = 4096
PAD_IDX = VOCAB
TOTAL = B * MAX_LEN // 2

LANES = 16
NC, NS = 2, 16
NW = NC * NS
RPW = B * MAX_LEN // NW
CH = 64
NCH = RPW // CH
NPAIR = NCH // 2


def _body(tokens_h, starts_h, lens_h, table_h, out_h,
          tok_v, st_v, ln_v, idx_v, buf_v, gsem0, gsem1):
  core = lax.axis_index("c")
  sub = lax.axis_index("s")
  b = sub
  half = core
  m0 = half * RPW
  row0 = b * MAX_LEN + m0

  pltpu.sync_copy(tokens_h, tok_v)
  pltpu.sync_copy(starts_h, st_v.at[pl.ds(0, LANES)])
  pltpu.sync_copy(lens_h, ln_v.at[pl.ds(0, LANES)])

  lane = jnp.arange(LANES, dtype=jnp.int32)
  start_b = st_v[pl.ds(b, LANES)][0]
  len_b = ln_v[pl.ds(b, LANES)][0]

  def build(i, carry):
    pos = m0 + i * LANES + lane
    valid = pos < len_b
    g = jnp.clip(start_b + pos, 0, TOTAL - 1)
    toks = plsc.load_gather(tok_v, [g])
    idx_v[pl.ds(i * LANES, LANES)] = jnp.where(valid, toks, PAD_IDX)
    return carry

  lax.fori_loop(0, RPW // LANES, build, 0)

  sems = (gsem0, gsem1)

  def issue(ci, j):
    pltpu.async_copy(table_h.at[idx_v.at[pl.ds(ci * CH, CH)]],
                     buf_v.at[j], sems[j])

  def wait(j):
    pltpu.make_async_copy(table_h.at[idx_v.at[pl.ds(0, CH)]],
                          buf_v.at[j], sems[j]).wait()

  def drain(ci, j):
    pltpu.sync_copy(buf_v.at[j], out_h.at[pl.ds(row0 + ci * CH, CH)])

  issue(0, 0)

  def pair(cc, carry):
    ca = cc * 2
    wait(0)
    issue(ca + 1, 1)
    drain(ca, 0)
    wait(1)

    @pl.when(cc < NPAIR - 1)
    def _():
      issue(ca + 2, 0)

    drain(ca + 1, 1)
    return carry

  lax.fori_loop(0, NPAIR, pair, 0)


@jax.jit
def _gather_pallas(tokens, starts, lens, table):
  mesh = plsc.VectorSubcoreMesh(core_axis_name="c", subcore_axis_name="s",
                                num_cores=NC, num_subcores=NS)
  return pl.kernel(
      _body,
      out_type=jax.ShapeDtypeStruct((B * MAX_LEN, EMBED), jnp.float32),
      mesh=mesh,
      compiler_params=pltpu.CompilerParams(needs_layout_passes=False),
      scratch_types=[
          pltpu.VMEM((TOTAL,), jnp.int32),
          pltpu.VMEM((2 * LANES,), jnp.int32),
          pltpu.VMEM((2 * LANES,), jnp.int32),
          pltpu.VMEM((RPW,), jnp.int32),
          pltpu.VMEM((2, CH, EMBED), jnp.float32),
          pltpu.SemaphoreType.DMA,
          pltpu.SemaphoreType.DMA,
      ],
  )(tokens, starts, lens, table)


def kernel(tokens, cu_seqlens, table):
  starts = cu_seqlens[:B]
  lens = cu_seqlens[1:B + 1] - cu_seqlens[:B]
  out = _gather_pallas(tokens, starts, lens, table)
  return out.reshape(B, MAX_LEN, EMBED)

# --- scband reference (transcript-rebuilt; emitter-appended) ---
"""Pipeline reference for scband-seq-encoder-base-59476707115653 (READ-ONLY COPY).

The authoritative reference and input builder live on the scoring server;
editing this copy changes nothing except your own understanding.
"""

import jax, jax.numpy as jnp
import numpy as np

VOCAB = 100000
EMBED = 512
B = 16
MAX_LEN = 4096
TOTAL = B * MAX_LEN // 2  # 32768
PAD_IDX = VOCAB


def setup_inputs(seed: int = 0) -> dict:
    key = jax.random.key(seed)
    k_tok, k_tab = jax.random.split(key, 2)
    # ragged lengths summing (approximately exactly) to TOTAL, each <= MAX_LEN
    rng = np.random.RandomState(0)
    lengths = rng.randint(1536, 2561, size=B)
    lengths[-1] = int(np.clip(TOTAL - lengths[:-1].sum(), 1, MAX_LEN))
    total = int(lengths.sum())
    cu_seqlens = jnp.asarray(np.concatenate([[0], np.cumsum(lengths)]), dtype=jnp.int32)
    tokens = jax.random.randint(k_tok, (total,), 0, VOCAB, dtype=jnp.int32)
    # learned embedding table; padding row (index VOCAB) is zeros, matching padding_idx
    table = jax.random.normal(k_tab, (VOCAB + 1, EMBED), dtype=jnp.float32) * 0.02
    table = table.at[PAD_IDX].set(0.0)
    return {"tokens": tokens, "cu_seqlens": cu_seqlens, "table": table}


def reference(tokens, cu_seqlens, table):
    # Faithful combination of SeqEncoderBase._get_embeds + _pad_seqs:
    # concatenated ragged token ids -> padded [B, MAX_LEN] with padding_idx -> embedding lookup.
    lengths = cu_seqlens[1:] - cu_seqlens[:-1]          # [B]
    pos = jnp.arange(MAX_LEN, dtype=jnp.int32)          # [MAX_LEN]
    gather_idx = cu_seqlens[:-1][:, None] + pos[None, :]  # [B, MAX_LEN]
    mask = pos[None, :] < lengths[:, None]              # [B, MAX_LEN]
    safe_idx = jnp.clip(gather_idx, 0, tokens.shape[0] - 1)
    padded_tokens = jnp.where(mask, tokens[safe_idx], PAD_IDX)  # pad with padding_idx
    embeds = jnp.take(table, padded_tokens, axis=0)     # [B, MAX_LEN, EMBED]
    return embeds

if __name__ == "__main__":
    import jax
    _d = setup_inputs()
    print(jax.jit(kernel)(*tuple(_d.values())))

</pallas_src>

<mosaic_0001>
#map = affine_map<(d0, d1) -> (0)>
#map1 = affine_map<(d0, d1) -> (0, 0)>
module attributes {stable_mosaic.version = 14 : i64} {
  func.func @_body(%arg0: i32, %arg1: i32, %arg2: memref<32768xi32, #tpu.memory_space<hbm>>, %arg3: memref<16xi32, #tpu.memory_space<hbm>>, %arg4: memref<16xi32, #tpu.memory_space<hbm>>, %arg5: memref<100001x512xf32, #tpu.memory_space<hbm>>, %arg6: memref<65536x512xf32, #tpu.memory_space<hbm>>, %arg7: memref<32768xi32, #tpu.memory_space<vmem>>, %arg8: memref<32xi32, #tpu.memory_space<vmem>>, %arg9: memref<32xi32, #tpu.memory_space<vmem>>, %arg10: memref<2048xi32, #tpu.memory_space<vmem>>, %arg11: memref<2x64x512xf32, #tpu.memory_space<vmem>>, %arg12: memref<!tpu.dma_semaphore, #tpu.memory_space<semaphore_mem>>, %arg13: memref<!tpu.dma_semaphore, #tpu.memory_space<semaphore_mem>>) attributes {dimension_semantics = [#tpu.dimension_semantics<core_parallel>, #tpu.dimension_semantics<subcore_parallel>], iteration_bounds = array<i64: 2, 16>, scalar_prefetch = 0 : i64, scratch_operands = 7 : i64, tpu.core_type = #tpu.core_type<sc_vector_subcore>, window_params = [{transform_indices = #map}, {transform_indices = #map}, {transform_indices = #map}, {transform_indices = #map1}, {transform_indices = #map1}]} {
    %mul3A = arith.constant 2048 : i32
    %mul3A_0 = arith.muli %arg0, %mul3A : i32
    %mul3A_1 = arith.constant 4096 : i32
    %mul3A_2 = arith.muli %arg1, %mul3A_1 : i32
    %add3A = arith.addi %mul3A_2, %mul3A_0 : i32
    "tpu.region"() ({
      %run_scoped3A = tpu.sem_alloc : memref<!tpu.dma_semaphore, #tpu.memory_space<semaphore_mem>>
      tpu.enqueue_dma source(%arg2 : memref<32768xi32, #tpu.memory_space<hbm>>) target(%arg7 : memref<32768xi32, #tpu.memory_space<vmem>>) target_semaphore(%run_scoped3A : memref<!tpu.dma_semaphore, #tpu.memory_space<semaphore_mem>>)
      tpu.wait_dma2 semaphore(%run_scoped3A : memref<!tpu.dma_semaphore, #tpu.memory_space<semaphore_mem>>) src(%arg2 : memref<32768xi32, #tpu.memory_space<hbm>>) dst(%arg7 : memref<32768xi32, #tpu.memory_space<vmem>>)
      tpu.yield
    }) : () -> ()
    "tpu.region"() ({
      %run_scoped3A = tpu.sem_alloc : memref<!tpu.dma_semaphore, #tpu.memory_space<semaphore_mem>>
      %dma_start3A_28 = arith.constant 0 : i32
      %dma_start3A_29 = tpu.memref_slice %arg8[%dma_start3A_28] : memref<32xi32, #tpu.memory_space<vmem>> -> memref<16xi32, #tpu.memory_space<vmem>>
      %dma_start3A_30 = arith.constant 0 : i32
      %dma_start3A_31 = tpu.memref_slice %arg8[%dma_start3A_30] : memref<32xi32, #tpu.memory_space<vmem>> -> memref<16xi32, #tpu.memory_space<vmem>>
      tpu.enqueue_dma source(%arg3 : memref<16xi32, #tpu.memory_space<hbm>>) target(%dma_start3A_31 : memref<16xi32, #tpu.memory_space<vmem>>) target_semaphore(%run_scoped3A : memref<!tpu.dma_semaphore, #tpu.memory_space<semaphore_mem>>)
      %dma_wait3A = arith.constant 0 : i32
      %dma_wait3A_32 = tpu.memref_slice %arg8[%dma_wait3A] : memref<32xi32, #tpu.memory_space<vmem>> -> memref<16xi32, #tpu.memory_space<vmem>>
      %dma_wait3A_33 = arith.constant 0 : i32
      %dma_wait3A_34 = tpu.memref_slice %arg8[%dma_wait3A_33] : memref<32xi32, #tpu.memory_space<vmem>> -> memref<16xi32, #tpu.memory_space<vmem>>
      tpu.wait_dma2 semaphore(%run_scoped3A : memref<!tpu.dma_semaphore, #tpu.memory_space<semaphore_mem>>) src(%arg3 : memref<16xi32, #tpu.memory_space<hbm>>) dst(%dma_wait3A_34 : memref<16xi32, #tpu.memory_space<vmem>>)
      tpu.yield
    }) : () -> ()
    "tpu.region"() ({
      %run_scoped3A = tpu.sem_alloc : memref<!tpu.dma_semaphore, #tpu.memory_space<semaphore_mem>>
      %dma_start3A_28 = arith.constant 0 : i32
      %dma_start3A_29 = tpu.memref_slice %arg9[%dma_start3A_28] : memref<32xi32, #tpu.memory_space<vmem>> -> memref<16xi32, #tpu.memory_space<vmem>>
      %dma_start3A_30 = arith.constant 0 : i32
      %dma_start3A_31 = tpu.memref_slice %arg9[%dma_start3A_30] : memref<32xi32, #tpu.memory_space<vmem>> -> memref<16xi32, #tpu.memory_space<vmem>>
      tpu.enqueue_dma source(%arg4 : memref<16xi32, #tpu.memory_space<hbm>>) target(%dma_start3A_31 : memref<16xi32, #tpu.memory_space<vmem>>) target_semaphore(%run_scoped3A : memref<!tpu.dma_semaphore, #tpu.memory_space<semaphore_mem>>)
      %dma_wait3A = arith.constant 0 : i32
      %dma_wait3A_32 = tpu.memref_slice %arg9[%dma_wait3A] : memref<32xi32, #tpu.memory_space<vmem>> -> memref<16xi32, #tpu.memory_space<vmem>>
      %dma_wait3A_33 = arith.constant 0 : i32
      %dma_wait3A_34 = tpu.memref_slice %arg9[%dma_wait3A_33] : memref<32xi32, #tpu.memory_space<vmem>> -> memref<16xi32, #tpu.memory_space<vmem>>
      tpu.wait_dma2 semaphore(%run_scoped3A : memref<!tpu.dma_semaphore, #tpu.memory_space<semaphore_mem>>) src(%arg4 : memref<16xi32, #tpu.memory_space<hbm>>) dst(%dma_wait3A_34 : memref<16xi32, #tpu.memory_space<vmem>>)
      tpu.yield
    }) : () -> ()
    %iota3A = tpu.iota {dimensions = array<i32: 0>} : vector<16xi32>
    %get3A = arith.index_cast %arg1 : i32 to index
    %get3A_3 = tpu.vector_load %arg8[%get3A] {strides = array<i32>} : memref<32xi32, #tpu.memory_space<vmem>>, vector<16xi32>,
    %slice3A = vector.extract_strided_slice %get3A_3 {offsets = [0], sizes = [1], strides = [1]} : vector<16xi32> to vector<1xi32>
    %squeeze3A = vector.extract %slice3A[0] : i32 from vector<1xi32>
    %get3A_4 = arith.index_cast %arg1 : i32 to index
    %get3A_5 = tpu.vector_load %arg9[%get3A_4] {strides = array<i32>} : memref<32xi32, #tpu.memory_space<vmem>>, vector<16xi32>,
    %slice3A_6 = vector.extract_strided_slice %get3A_5 {offsets = [0], sizes = [1], strides = [1]} : vector<16xi32> to vector<1xi32>
    %squeeze3A_7 = vector.extract %slice3A_6[0] : i32 from vector<1xi32>
    %scan3A = arith.constant 0 : i32
    %scan3A_8 = arith.constant 0 : i32
    %scan3A_9 = arith.constant 128 : i32
    %scan3A_10 = arith.addi %scan3A_8, %scan3A_9 : i32
    %scan3A_11 = arith.constant 1 : i32
    scf.for %scan3A_28 = %scan3A_8 to %scan3A_10 step %scan3A_11  : i32 {
      %mul3A_29 = arith.constant 16 : i32
      %mul3A_30 = arith.muli %scan3A_28, %mul3A_29 : i32
      %add3A_31 = arith.addi %mul3A_0, %mul3A_30 : i32
      %add3A_32 = vector.broadcast %add3A_31 : i32 to vector<16xi32>
      %add3A_33 = arith.addi %add3A_32, %iota3A : vector<16xi32>
      %lt3A = vector.broadcast %squeeze3A_7 : i32 to vector<16xi32>
      %lt3A_34 = arith.cmpi slt, %add3A_33, %lt3A : vector<16xi32>
      %add3A_35 = vector.broadcast %squeeze3A : i32 to vector<16xi32>
      %add3A_36 = arith.addi %add3A_35, %add3A_33 : vector<16xi32>
      %jit3A = arith.constant 0 : i32
      %jit3A_37 = arith.constant 32767 : i32
      %max3A = vector.broadcast %jit3A : i32 to vector<16xi32>
      %max3A_38 = arith.maxsi %max3A, %add3A_36 : vector<16xi32>
      %min3A = vector.broadcast %jit3A_37 : i32 to vector<16xi32>
      %min3A_39 = arith.minsi %min3A, %max3A_38 : vector<16xi32>
      %gather3A = tpu.vector_load_idx %arg7[%min3A_39] : memref<32768xi32, #tpu.memory_space<vmem>>[vector<16xi32>], vector<16xi32>,
      %jit3A_40 = arith.constant 100000 : i32
      %broadcast_in_dim3A = vector.broadcast %jit3A_40 : i32 to vector<16xi32>
      %select_n3A = arith.select %lt3A_34, %gather3A, %broadcast_in_dim3A : vector<16xi1>, vector<16xi32>
      %mul3A_41 = arith.constant 16 : i32
      %mul3A_42 = arith.muli %scan3A_28, %mul3A_41 : i32
      %swap3A = arith.index_cast %mul3A_42 : i32 to index
      %swap3A_43 = tpu.vector_load %arg10[%swap3A] {strides = array<i32>} : memref<2048xi32, #tpu.memory_space<vmem>>, vector<16xi32>,
      tpu.vector_store %arg10[%swap3A], %select_n3A {strides = array<i32>} : memref<2048xi32, #tpu.memory_space<vmem>>, vector<16xi32>,
    }
    %scan3A_12 = arith.constant 128 : i32
    %dma_start3A = arith.constant 0 : i32
    %dma_start3A_13 = arith.constant 0 : i32
    %dma_start3A_14 = arith.constant 0 : i32
    %dma_start3A_15 = tpu.memref_slice %arg11[%dma_start3A, %dma_start3A_13, %dma_start3A_14] : memref<2x64x512xf32, #tpu.memory_space<vmem>> -> memref<1x64x512xf32, #tpu.memory_space<vmem>>
    %dma_start3A_16 = tpu.memref_squeeze %dma_start3A_15 : memref<1x64x512xf32, #tpu.memory_space<vmem>> -> memref<64x512xf32, #tpu.memory_space<vmem>>
    %dma_start3A_17 = arith.constant 0 : i32
    %dma_start3A_18 = tpu.memref_slice %arg10[%dma_start3A_17] : memref<2048xi32, #tpu.memory_space<vmem>> -> memref<64xi32, #tpu.memory_space<vmem>>
    %dma_start3A_19 = arith.constant 0 : i32
    %dma_start3A_20 = arith.constant 0 : i32
    %dma_start3A_21 = tpu.memref_slice %arg5[%dma_start3A_19, %dma_start3A_20] : memref<100001x512xf32, #tpu.memory_space<hbm>> -> memref<100001x512xf32, #tpu.memory_space<hbm>>
    tpu.enqueue_indirect_dma source(%dma_start3A_21 : memref<100001x512xf32, #tpu.memory_space<hbm>>) target(%dma_start3A_16 : memref<64x512xf32, #tpu.memory_space<vmem>>) offsets(%dma_start3A_18 : memref<64xi32, #tpu.memory_space<vmem>>) semaphore(%arg12 : memref<!tpu.dma_semaphore, #tpu.memory_space<semaphore_mem>>)
    %scan3A_22 = arith.constant 0 : i32
    %scan3A_23 = arith.constant 0 : i32
    %scan3A_24 = arith.constant 16 : i32
    %scan3A_25 = arith.addi %scan3A_23, %scan3A_24 : i32
    %scan3A_26 = arith.constant 1 : i32
    scf.for %scan3A_28 = %scan3A_23 to %scan3A_25 step %scan3A_26  : i32 {
      %mul3A_29 = arith.constant 2 : i32
      %mul3A_30 = arith.muli %scan3A_28, %mul3A_29 : i32
      %dma_wait3A = arith.constant 0 : i32
      %dma_wait3A_31 = arith.constant 0 : i32
      %dma_wait3A_32 = arith.constant 0 : i32
      %dma_wait3A_33 = tpu.memref_slice %arg11[%dma_wait3A, %dma_wait3A_31, %dma_wait3A_32] : memref<2x64x512xf32, #tpu.memory_space<vmem>> -> memref<1x64x512xf32, #tpu.memory_space<vmem>>
      %dma_wait3A_34 = tpu.memref_squeeze %dma_wait3A_33 : memref<1x64x512xf32, #tpu.memory_space<vmem>> -> memref<64x512xf32, #tpu.memory_space<vmem>>
      %dma_wait3A_35 = arith.constant 0 : i32
      %dma_wait3A_36 = tpu.memref_slice %arg10[%dma_wait3A_35] : memref<2048xi32, #tpu.memory_space<vmem>> -> memref<64xi32, #tpu.memory_space<vmem>>
      %dma_wait3A_37 = arith.constant 0 : i32
      %dma_wait3A_38 = arith.constant 0 : i32
      %dma_wait3A_39 = tpu.memref_slice %arg5[%dma_wait3A_37, %dma_wait3A_38] : memref<100001x512xf32, #tpu.memory_space<hbm>> -> memref<100001x512xf32, #tpu.memory_space<hbm>>
      tpu.wait_indirect_dma semaphore(%arg12 : memref<!tpu.dma_semaphore, #tpu.memory_space<semaphore_mem>>) src(%dma_wait3A_39 : memref<100001x512xf32, #tpu.memory_space<hbm>>) dst(%dma_wait3A_34 : memref<64x512xf32, #tpu.memory_space<vmem>>)
      %add3A_40 = arith.constant 1 : i32
      %add3A_41 = arith.addi %mul3A_30, %add3A_40 : i32
      %mul3A_42 = arith.constant 64 : i32
      %mul3A_43 = arith.muli %add3A_41, %mul3A_42 : i32
      %dma_start3A_44 = arith.constant 1 : i32
      %dma_start3A_45 = arith.constant 0 : i32
      %dma_start3A_46 = arith.constant 0 : i32
      %dma_start3A_47 = tpu.memref_slice %arg11[%dma_start3A_44, %dma_start3A_45, %dma_start3A_46] : memref<2x64x512xf32, #tpu.memory_space<vmem>> -> memref<1x64x512xf32, #tpu.memory_space<vmem>>
      %dma_start3A_48 = tpu.memref_squeeze %dma_start3A_47 : memref<1x64x512xf32, #tpu.memory_space<vmem>> -> memref<64x512xf32, #tpu.memory_space<vmem>>
      %dma_start3A_49 = tpu.memref_slice %arg10[%mul3A_43] : memref<2048xi32, #tpu.memory_space<vmem>> -> memref<64xi32, #tpu.memory_space<vmem>>
      %dma_start3A_50 = arith.constant 0 : i32
      %dma_start3A_51 = arith.constant 0 : i32
      %dma_start3A_52 = tpu.memref_slice %arg5[%dma_start3A_50, %dma_start3A_51] : memref<100001x512xf32, #tpu.memory_space<hbm>> -> memref<100001x512xf32, #tpu.memory_space<hbm>>
      tpu.enqueue_indirect_dma source(%dma_start3A_52 : memref<100001x512xf32, #tpu.memory_space<hbm>>) target(%dma_start3A_48 : memref<64x512xf32, #tpu.memory_space<vmem>>) offsets(%dma_start3A_49 : memref<64xi32, #tpu.memory_space<vmem>>) semaphore(%arg13 : memref<!tpu.dma_semaphore, #tpu.memory_space<semaphore_mem>>)
      %mul3A_53 = arith.constant 64 : i32
      %mul3A_54 = arith.muli %mul3A_30, %mul3A_53 : i32
      %add3A_55 = arith.addi %add3A, %mul3A_54 : i32
      %run_scoped3A = arith.constant 0 : i32
      "tpu.region"() ({
        %run_scoped3A_74 = tpu.sem_alloc : memref<!tpu.dma_semaphore, #tpu.memory_space<semaphore_mem>>
        %dma_start3A_75 = arith.constant 0 : i32
        %dma_start3A_76 = arith.constant 0 : i32
        %dma_start3A_77 = tpu.memref_slice %arg11[%run_scoped3A, %dma_start3A_75, %dma_start3A_76] : memref<2x64x512xf32, #tpu.memory_space<vmem>> -> memref<1x64x512xf32, #tpu.memory_space<vmem>>
        %dma_start3A_78 = tpu.memref_squeeze %dma_start3A_77 : memref<1x64x512xf32, #tpu.memory_space<vmem>> -> memref<64x512xf32, #tpu.memory_space<vmem>>
        %dma_start3A_79 = arith.constant 0 : i32
        %dma_start3A_80 = tpu.memref_slice %arg6[%add3A_55, %dma_start3A_79] : memref<65536x512xf32, #tpu.memory_space<hbm>> -> memref<64x512xf32, #tpu.memory_space<hbm>>
        %dma_start3A_81 = arith.constant 0 : i32
        %dma_start3A_82 = tpu.memref_slice %arg6[%add3A_55, %dma_start3A_81] : memref<65536x512xf32, #tpu.memory_space<hbm>> -> memref<64x512xf32, #tpu.memory_space<hbm>>
        %dma_start3A_83 = arith.constant 0 : i32
        %dma_start3A_84 = arith.constant 0 : i32
        %dma_start3A_85 = tpu.memref_slice %arg11[%run_scoped3A, %dma_start3A_83, %dma_start3A_84] : memref<2x64x512xf32, #tpu.memory_space<vmem>> -> memref<1x64x512xf32, #tpu.memory_space<vmem>>
        %dma_start3A_86 = tpu.memref_squeeze %dma_start3A_85 : memref<1x64x512xf32, #tpu.memory_space<vmem>> -> memref<64x512xf32, #tpu.memory_space<vmem>>
        tpu.enqueue_dma source(%dma_start3A_86 : memref<64x512xf32, #tpu.memory_space<vmem>>) target(%dma_start3A_82 : memref<64x512xf32, #tpu.memory_space<hbm>>) target_semaphore(%run_scoped3A_74 : memref<!tpu.dma_semaphore, #tpu.memory_space<semaphore_mem>>)
        %dma_wait3A_87 = arith.constant 0 : i32
        %dma_wait3A_88 = arith.constant 0 : i32
        %dma_wait3A_89 = tpu.memref_slice %arg11[%run_scoped3A, %dma_wait3A_87, %dma_wait3A_88] : memref<2x64x512xf32, #tpu.memory_space<vmem>> -> memref<1x64x512xf32, #tpu.memory_space<vmem>>
        %dma_wait3A_90 = tpu.memref_squeeze %dma_wait3A_89 : memref<1x64x512xf32, #tpu.memory_space<vmem>> -> memref<64x512xf32, #tpu.memory_space<vmem>>
        %dma_wait3A_91 = arith.constant 0 : i32
        %dma_wait3A_92 = tpu.memref_slice %arg6[%add3A_55, %dma_wait3A_91] : memref<65536x512xf32, #tpu.memory_space<hbm>> -> memref<64x512xf32, #tpu.memory_space<hbm>>
        %dma_wait3A_93 = arith.constant 0 : i32
        %dma_wait3A_94 = tpu.memref_slice %arg6[%add3A_55, %dma_wait3A_93] : memref<65536x512xf32, #tpu.memory_space<hbm>> -> memref<64x512xf32, #tpu.memory_space<hbm>>
        %dma_wait3A_95 = arith.constant 0 : i32
        %dma_wait3A_96 = arith.constant 0 : i32
        %dma_wait3A_97 = tpu.memref_slice %arg11[%run_scoped3A, %dma_wait3A_95, %dma_wait3A_96] : memref<2x64x512xf32, #tpu.memory_space<vmem>> -> memref<1x64x512xf32, #tpu.memory_space<vmem>>
        %dma_wait3A_98 = tpu.memref_squeeze %dma_wait3A_97 : memref<1x64x512xf32, #tpu.memory_space<vmem>> -> memref<64x512xf32, #tpu.memory_space<vmem>>
        tpu.wait_dma2 semaphore(%run_scoped3A_74 : memref<!tpu.dma_semaphore, #tpu.memory_space<semaphore_mem>>) src(%dma_wait3A_98 : memref<64x512xf32, #tpu.memory_space<vmem>>) dst(%dma_wait3A_94 : memref<64x512xf32, #tpu.memory_space<hbm>>)
        tpu.yield
      }) : () -> ()
      %dma_wait3A_56 = arith.constant 1 : i32
      %dma_wait3A_57 = arith.constant 0 : i32
      %dma_wait3A_58 = arith.constant 0 : i32
      %dma_wait3A_59 = tpu.memref_slice %arg11[%dma_wait3A_56, %dma_wait3A_57, %dma_wait3A_58] : memref<2x64x512xf32, #tpu.memory_space<vmem>> -> memref<1x64x512xf32, #tpu.memory_space<vmem>>
      %dma_wait3A_60 = tpu.memref_squeeze %dma_wait3A_59 : memref<1x64x512xf32, #tpu.memory_space<vmem>> -> memref<64x512xf32, #tpu.memory_space<vmem>>
      %dma_wait3A_61 = arith.constant 0 : i32
      %dma_wait3A_62 = tpu.memref_slice %arg10[%dma_wait3A_61] : memref<2048xi32, #tpu.memory_space<vmem>> -> memref<64xi32, #tpu.memory_space<vmem>>
      %dma_wait3A_63 = arith.constant 0 : i32
      %dma_wait3A_64 = arith.constant 0 : i32
      %dma_wait3A_65 = tpu.memref_slice %arg5[%dma_wait3A_63, %dma_wait3A_64] : memref<100001x512xf32, #tpu.memory_space<hbm>> -> memref<100001x512xf32, #tpu.memory_space<hbm>>
      tpu.wait_indirect_dma semaphore(%arg13 : memref<!tpu.dma_semaphore, #tpu.memory_space<semaphore_mem>>) src(%dma_wait3A_65 : memref<100001x512xf32, #tpu.memory_space<hbm>>) dst(%dma_wait3A_60 : memref<64x512xf32, #tpu.memory_space<vmem>>)
      %lt3A = arith.constant 15 : i32
      %lt3A_66 = arith.cmpi slt, %scan3A_28, %lt3A : i32
      %convert_element_type3A = arith.extui %lt3A_66 : i1 to i32
      %cond3A = arith.constant 0 : i32
      %cond3A_67 = arith.cmpi ne, %convert_element_type3A, %cond3A : i32
      scf.if %cond3A_67 {
        %add3A_74 = arith.constant 2 : i32
        %add3A_75 = arith.addi %mul3A_30, %add3A_74 : i32
        %mul3A_76 = arith.constant 64 : i32
        %mul3A_77 = arith.muli %add3A_75, %mul3A_76 : i32
        %dma_start3A_78 = arith.constant 0 : i32
        %dma_start3A_79 = arith.constant 0 : i32
        %dma_start3A_80 = arith.constant 0 : i32
        %dma_start3A_81 = tpu.memref_slice %arg11[%dma_start3A_78, %dma_start3A_79, %dma_start3A_80] : memref<2x64x512xf32, #tpu.memory_space<vmem>> -> memref<1x64x512xf32, #tpu.memory_space<vmem>>
        %dma_start3A_82 = tpu.memref_squeeze %dma_start3A_81 : memref<1x64x512xf32, #tpu.memory_space<vmem>> -> memref<64x512xf32, #tpu.memory_space<vmem>>
        %dma_start3A_83 = tpu.memref_slice %arg10[%mul3A_77] : memref<2048xi32, #tpu.memory_space<vmem>> -> memref<64xi32, #tpu.memory_space<vmem>>
        %dma_start3A_84 = arith.constant 0 : i32
        %dma_start3A_85 = arith.constant 0 : i32
        %dma_start3A_86 = tpu.memref_slice %arg5[%dma_start3A_84, %dma_start3A_85] : memref<100001x512xf32, #tpu.memory_space<hbm>> -> memref<100001x512xf32, #tpu.memory_space<hbm>>
        tpu.enqueue_indirect_dma source(%dma_start3A_86 : memref<100001x512xf32, #tpu.memory_space<hbm>>) target(%dma_start3A_82 : memref<64x512xf32, #tpu.memory_space<vmem>>) offsets(%dma_start3A_83 : memref<64xi32, #tpu.memory_space<vmem>>) semaphore(%arg12 : memref<!tpu.dma_semaphore, #tpu.memory_space<semaphore_mem>>)
      } else {
      }
      %add3A_68 = arith.constant 1 : i32
      %add3A_69 = arith.addi %mul3A_30, %add3A_68 : i32
      %mul3A_70 = arith.constant 64 : i32
      %mul3A_71 = arith.muli %add3A_69, %mul3A_70 : i32
      %add3A_72 = arith.addi %add3A, %mul3A_71 : i32
      %run_scoped3A_73 = arith.constant 1 : i32
      "tpu.region"() ({
        %run_scoped3A_74 = tpu.sem_alloc : memref<!tpu.dma_semaphore, #tpu.memory_space<semaphore_mem>>
        %dma_start3A_75 = arith.constant 0 : i32
        %dma_start3A_76 = arith.constant 0 : i32
        %dma_start3A_77 = tpu.memref_slice %arg11[%run_scoped3A_73, %dma_start3A_75, %dma_start3A_76] : memref<2x64x512xf32, #tpu.memory_space<vmem>> -> memref<1x64x512xf32, #tpu.memory_space<vmem>>
        %dma_start3A_78 = tpu.memref_squeeze %dma_start3A_77 : memref<1x64x512xf32, #tpu.memory_space<vmem>> -> memref<64x512xf32, #tpu.memory_space<vmem>>
        %dma_start3A_79 = arith.constant 0 : i32
        %dma_start3A_80 = tpu.memref_slice %arg6[%add3A_72, %dma_start3A_79] : memref<65536x512xf32, #tpu.memory_space<hbm>> -> memref<64x512xf32, #tpu.memory_space<hbm>>
        %dma_start3A_81 = arith.constant 0 : i32
        %dma_start3A_82 = tpu.memref_slice %arg6[%add3A_72, %dma_start3A_81] : memref<65536x512xf32, #tpu.memory_space<hbm>> -> memref<64x512xf32, #tpu.memory_space<hbm>>
        %dma_start3A_83 = arith.constant 0 : i32
        %dma_start3A_84 = arith.constant 0 : i32
        %dma_start3A_85 = tpu.memref_slice %arg11[%run_scoped3A_73, %dma_start3A_83, %dma_start3A_84] : memref<2x64x512xf32, #tpu.memory_space<vmem>> -> memref<1x64x512xf32, #tpu.memory_space<vmem>>
        %dma_start3A_86 = tpu.memref_squeeze %dma_start3A_85 : memref<1x64x512xf32, #tpu.memory_space<vmem>> -> memref<64x512xf32, #tpu.memory_space<vmem>>
        tpu.enqueue_dma source(%dma_start3A_86 : memref<64x512xf32, #tpu.memory_space<vmem>>) target(%dma_start3A_82 : memref<64x512xf32, #tpu.memory_space<hbm>>) target_semaphore(%run_scoped3A_74 : memref<!tpu.dma_semaphore, #tpu.memory_space<semaphore_mem>>)
        %dma_wait3A_87 = arith.constant 0 : i32
        %dma_wait3A_88 = arith.constant 0 : i32
        %dma_wait3A_89 = tpu.memref_slice %arg11[%run_scoped3A_73, %dma_wait3A_87, %dma_wait3A_88] : memref<2x64x512xf32, #tpu.memory_space<vmem>> -> memref<1x64x512xf32, #tpu.memory_space<vmem>>
        %dma_wait3A_90 = tpu.memref_squeeze %dma_wait3A_89 : memref<1x64x512xf32, #tpu.memory_space<vmem>> -> memref<64x512xf32, #tpu.memory_space<vmem>>
        %dma_wait3A_91 = arith.constant 0 : i32
        %dma_wait3A_92 = tpu.memref_slice %arg6[%add3A_72, %dma_wait3A_91] : memref<65536x512xf32, #tpu.memory_space<hbm>> -> memref<64x512xf32, #tpu.memory_space<hbm>>
        %dma_wait3A_93 = arith.constant 0 : i32
        %dma_wait3A_94 = tpu.memref_slice %arg6[%add3A_72, %dma_wait3A_93] : memref<65536x512xf32, #tpu.memory_space<hbm>> -> memref<64x512xf32, #tpu.memory_space<hbm>>
        %dma_wait3A_95 = arith.constant 0 : i32
        %dma_wait3A_96 = arith.constant 0 : i32
        %dma_wait3A_97 = tpu.memref_slice %arg11[%run_scoped3A_73, %dma_wait3A_95, %dma_wait3A_96] : memref<2x64x512xf32, #tpu.memory_space<vmem>> -> memref<1x64x512xf32, #tpu.memory_space<vmem>>
        %dma_wait3A_98 = tpu.memref_squeeze %dma_wait3A_97 : memref<1x64x512xf32, #tpu.memory_space<vmem>> -> memref<64x512xf32, #tpu.memory_space<vmem>>
        tpu.wait_dma2 semaphore(%run_scoped3A_74 : memref<!tpu.dma_semaphore, #tpu.memory_space<semaphore_mem>>) src(%dma_wait3A_98 : memref<64x512xf32, #tpu.memory_space<vmem>>) dst(%dma_wait3A_94 : memref<64x512xf32, #tpu.memory_space<hbm>>)
        tpu.yield
      }) : () -> ()
    }
    %scan3A_27 = arith.constant 16 : i32
    return
  }
}

</mosaic_0001>

<sc_bundles>
// kernel: _gather_pallas.3.cloned.1.call-start
scs
__scs_entry_jumppad:
0x0: {  	(pc) =	sbr.rel $0x88, $3  }
0x1: {  	(tag) =	ssettag $0x0;
	lr =	simm.s32 $0x1  }
0x2: {  	[smem:$0x3F9D] =	sst lr;
	_ =	strace $0xD0000000  }
0x3: {  	_ = 	snop  }
0x4: {  	_ = 	snop  }
0x5: {  	_ = 	snop  }
0x6: {  	_ = 	snop  }
0x7: {  	_ = 	snop  }
__scs_overlays_trampoline_lowered:
0x8: {  	[smem:$0x3FAC] =	sst s0  }
0x9: {  	[smem:$0x3FAD] =	sst s1  }
0xa: {  	[smem:$0x3FAE] =	sst s2  }
0xb: {  	[smem:$0x3FAF] =	sst s3  }
0xc: {  	[smem:$0x3FB0] =	sst s4  }
0xd: {  	[smem:$0x3FB1] =	sst s5  }
0xe: {  	[smem:$0x3FB2] =	sst s6  }
0xf: {  	[smem:$0x3FB3] =	sst s7  }
0x10: {  	[smem:$0x3FB4] =	sst s8  }
0x11: {  	[smem:$0x3FB5] =	sst s9;
	s0 =	simm.s32 @!p0 $0x0  }
0x12: {  	s1 =	sld [smem:$0x3F9B];
	s0 =	simm.s32 @p0 $0x1  }
0x13: {  	[smem:$0x3FB6] =	sst s0;
	s0 =	simm.s32 @!p1 $0x0  }
0x14: {  	s2 =	sld [smem:$0x3F9A];
	s0 =	simm.s32 @p1 $0x1  }
0x15: {  	[smem:$0x3FB7] =	sst s0;
	s0 =	simm.s32 @!p2 $0x0  }
0x16: {  	s3 =	sld [smem:$0x3FDB];
	s0 =	simm.s32 @p2 $0x1  }
0x17: {  	s4 =	simm.s32 $0x1BF5;
	[smem:$0x3FB9] =	sst s0  }
0x18: {  	s0 =	sld [smem:$0x3F9C];
	_ =	swait.ge [sflag:s4], $0x0  }
0x19: {  	s7 =	sld [smem:$0x3F9D]  }
0x1a: {  	s8 =	sadd.s32 $0xFFFFE003, lr  }
0x1b: {  	s9 =	sadd.s32 $0xFFFFFEF7, lr;
	s5 =	simm.s32 $0xFFFFFFFF;
	p2 =	slt.u32 s8, $0xFFFFF086  }
0x1c: {  	p1 =	slt.u32 s9, $0xF7A;
	s5 =	simm.s32 @!p2 $0x0  }
0x1d: {  	s5 =	simm.s32 @p1 $0x1;
	p0 =	seq.s32 s7, s2  }
0x1e: {  	s7 =	smul.u32 @!p0 $0xF7A, s2;
	p2 =	seq.s32 @!p0 s5, $0x0  }
0x1f: {  	s9 =	smul.u32 $0xF7A, s1;
	s8 =	simm.s32 @!p0 $0x1BF5;
	p2 =	por !p2, p0  }
0x20: {  	[sflag:s8] =	ssyncset.s32 @!p0 $0xFFFFF086;
	s6 =	sadd.s32 @!p0 s3, s7;
	s7 =	simm.s32 @!p0 $0x108  }
0x21: {  	s3 =	sadd.s32 s3, s9;
	s6 =	sadd.s32 @!p0 $0x88, s6;
	s7 =	simm.s32 @p2 $0x1082  }
0x22: {  	[simem:s7], [sflag:s8] =	dma.local @!p0 [hbm:s6], $0xF7A  }
0x23: {  	s9 =	sor.u32 $0xD0000000, s2;
	s6 =	simm.s32 $0x108;
	_ =	swait.ge @!p0 [sflag:s8], $0x0  }
0x24: {  	s3 =	sadd.s32 $0x88, s3;
	s6 =	simm.s32 @!p1 $0x1082;
	[sflag:s4] =	ssyncset.s32 $0xFFFFF086  }
0x25: {  	[simem:s6], [sflag:s4] =	dma.local [hbm:s3], $0xF7A  }
0x26: {  	[smem:$0x3F9D] =	sst s1;
	(tag) =	ssettag s2;
	_ =	strace s9  }
0x27: {  	s1 =	sld [smem:$0x3FAD]  }
0x28: {  	s2 =	sld [smem:$0x3FAE]  }
0x29: {  	s4 =	sld [smem:$0x3FB0]  }
0x2a: {  	p0 =	seq.s32 s5, $0x0;
	s5 =	sld [smem:$0x3FB1]  }
0x2b: {  	s6 =	sld [smem:$0x3FB2]  }
0x2c: {  	s7 =	sld [smem:$0x3FB3]  }
0x2d: {  	s3 =	simm.s32 $0x108;
	s8 =	sld [smem:$0x3FB4]  }
0x2e: {  	s3 =	simm.s32 @!p0 $0x1082;
	s9 =	sld [smem:$0x3FB5]  }
0x2f: {  	lr =	sadd.s32 s0, s3;
	s0 =	sld [smem:$0x3FAC]  }
0x30: {  	s3 =	sld [smem:$0x3FAF]  }
0x31: {  	[smem:$0x3FB8] =	sst s10  }
0x32: {  	s10 =	sld [smem:$0x3FB6];
	_ =	sdelay $0x3  }
0x33: {  	p0 =	seq.s32 s10, $0x1;
	s10 =	sld [smem:$0x3FB8];
	_ =	sdelay $0x3  }
0x34: {  	[smem:$0x3FB8] =	sst s10  }
0x35: {  	s10 =	sld [smem:$0x3FB7];
	_ =	sdelay $0x3  }
0x36: {  	p1 =	seq.s32 s10, $0x1;
	s10 =	sld [smem:$0x3FB8];
	_ =	sdelay $0x3  }
0x37: {  	[smem:$0x3FB8] =	sst s10  }
0x38: {  	s10 =	sld [smem:$0x3FB9]  }
0x39: {  	_ = 	snop;
	(pc) =	sbr.ind lr, $3  }
0x3a: {  	_ = 	snop  }
0x3b: {  	_ = 	snop  }
0x3c: {  	p2 =	seq.s32 s10, $0x1;
	s10 =	sld [smem:$0x3FB8]  }
0x3d: {  	_ =	shalt  }
0x3e: {  	_ =	shalt  }
0x3f: {  	_ =	shalt  }
0x40: {  	_ =	shalt  }
0x41: {  	_ =	shalt  }
0x42: {  	_ =	shalt  }
0x43: {  	_ =	shalt  }
0x44: {  	_ =	shalt  }
0x45: {  	_ =	shalt  }
0x46: {  	_ =	shalt  }
0x47: {  	_ =	shalt  }
0x48: {  	_ =	shalt  }
0x49: {  	_ =	shalt  }
0x4a: {  	_ =	shalt  }
0x4b: {  	_ =	shalt  }
0x4c: {  	_ =	shalt  }
0x4d: {  	_ =	shalt  }
0x4e: {  	_ =	shalt  }
0x4f: {  	_ =	shalt  }
0x50: {  	_ =	shalt  }
0x51: {  	_ =	shalt  }
0x52: {  	_ =	shalt  }
0x53: {  	_ =	shalt  }
0x54: {  	_ =	shalt  }
0x55: {  	_ =	shalt  }
0x56: {  	_ =	shalt  }
0x57: {  	_ =	shalt  }
0x58: {  	_ =	shalt  }
0x59: {  	_ =	shalt  }
0x5a: {  	_ =	shalt  }
0x5b: {  	_ =	shalt  }
0x5c: {  	_ =	shalt  }
0x5d: {  	_ =	shalt  }
0x5e: {  	_ =	shalt  }
0x5f: {  	_ =	shalt  }
0x60: {  	_ =	shalt  }
0x61: {  	_ =	shalt  }
0x62: {  	_ =	shalt  }
0x63: {  	_ =	shalt  }
0x64: {  	_ =	shalt  }
0x65: {  	_ =	shalt  }
0x66: {  	_ =	shalt  }
0x67: {  	_ =	shalt  }
0x68: {  	_ =	shalt  }
0x69: {  	_ =	shalt  }
0x6a: {  	_ =	shalt  }
0x6b: {  	_ =	shalt  }
0x6c: {  	_ =	shalt  }
0x6d: {  	_ =	shalt  }
0x6e: {  	_ =	shalt  }
0x6f: {  	_ =	shalt  }
0x70: {  	_ =	shalt  }
0x71: {  	_ =	shalt  }
0x72: {  	_ =	shalt  }
0x73: {  	_ =	shalt  }
0x74: {  	_ =	shalt  }
0x75: {  	_ =	shalt  }
0x76: {  	_ =	shalt  }
0x77: {  	_ =	shalt  }
0x78: {  	_ =	shalt  }
0x79: {  	_ =	shalt  }
0x7a: {  	_ =	shalt  }
0x7b: {  	_ =	shalt  }
0x7c: {  	_ =	shalt  }
0x7d: {  	_ =	shalt  }
0x7e: {  	_ =	shalt  }
0x7f: {  	_ =	shalt  }
0x80: {  	_ =	shalt  }
0x81: {  	_ =	shalt  }
0x82: {  	_ =	shalt  }
0x83: {  	_ =	shalt  }
0x84: {  	_ =	shalt  }
0x85: {  	_ =	shalt  }
0x86: {  	_ =	shalt  }
0x87: {  	_ =	shalt  }
.Lfunc_end0:
.L_simem_size_0:
called_computation_lowered:
.L_overlay_start_0:
0x88: {  	s2 =	sld [smem:$0x3FD9]  }
0x89: {  	s3 =	sld [smem:$0x3FFE];
	_ =	sdelay $0x1  }
0x8a: {  	s1 =	srdreg.scid  }
0x8b: {  	s0 =	sand.u32 $0x1, s1  }
0x8c: {  	s18 =	sshll.u32 s0, $0xA;
	s2 =	sadd.s32 s3, s2  }
0x8d: {  	s2 =	sadd.s32 s2, s18  }
0x8e: {  	[smem:$0x3FC4] =	sst s2  }
0x8f: {  	_ = 	snop  }
0x90: {  	s2 =	sld [smem:$0x3FC9]  }
0x91: {  	s19 =	sld [smem:$0x3FC8]  }
0x92: {  	s4 =	sld [smem:$0x3FC7]  }
0x93: {  	s5 =	sld [smem:$0x3FC6]  }
0x94: {  	s6 =	sld [smem:$0x3FD0];
	(tm) =	ssettm $0x1  }
0x95: {  	s7 =	sld [smem:$0x3FFB];
	_ =	sdelay $0x3  }
0x96: {  	_ =	strace s7  }
0x97: {  	s7 =	sld [smem:$0x3FFC];
	_ =	sdelay $0x3  }
0x98: {  	_ =	strace s7  }
0x99: {  	s7 =	sld [smem:$0x3FFD];
	_ =	sdelay $0x3  }
0x9a: {  	_ =	strace s7  }
0x9b: {  	_ =	strace $0x8FFFFFFF  }
0x9c: {  	s20 =	sld [smem:$0x3FDB];
	_ =	sdelay $0x1  }
0x9d: {  	s8 =	simm.s32 $_scs_section_size  }
0x9e: {  	s9 =	simm.s32 $_size__tile_overlayer_lowered;
	s10 =	simm.s32 $_tile_overlayer_lowered  }
0x9f: {  	s23 =	simm.s32 $0x1BFF;
	s22 =	sshll.u32 s10, $0x1;
	s7 =	sadd.s32 s8, s20  }
0xa0: {  	s11 =	simm.s32 $0x0;
	s21 =	sshll.u32 s9, $0x1;
	s9 =	sadd.s32 s22, s7  }
0xa1: {  	[timem:s11], [sflag:s23] =	dma.local [hbm:s9], s21  }
0xa2: {  	_ =	swait.ge [sflag:s23], s21  }
0xa3: {  	s8 =	ssub.s32 $0x0, s21;
	[sflag:s23] =	ssyncset.done $0x0  }
0xa4: {  	[sflag:s23] =	ssyncadd.s32 s8;
	_ =	sdelay $0x1  }
0xa5: {  	s24 =	simm.s32 $0x1B8B  }
0xa6: {  	_ =	swait.ge [sflag:s24], $0x1  }
0xa7: {  	[sflag:s24] =	ssyncset.done $0x0  }
0xa8: {  	s25 =	simm.s32 $0x1B8E;
	[sflag:s24] =	ssyncadd.s32 $0xFFFFFFFF  }
0xa9: {  	s26 =	simm.s32 $execute0_lowered;
	[smem:$0x3FD2] =	sst s25  }
0xaa: {  	s8 =	sshll.u32 s26, $0x1;
	_ =	strace $0x80000046;
	[dreg:$0x1] =	wrdreg $0xFFFFFFFF  }
0xab: {  	s28 =	simm.s32 $_size_execute0_lowered;
	s7 =	sadd.s32 s7, s8;
	[dreg:$0x0] =	wrdreg $0x0  }
0xac: {  	s8 =	sshll.u32 s28, $0x1;
	[dreg:$0x2] =	wrdreg s7  }
0xad: {  	[dreg:$0x3] =	wrdreg s8  }
0xae: {  	[dreg:$0x4] =	wrdreg $0xC0  }
0xaf: {  	_ =	task [dreg:s11], $0x5FFFF  }
0xb0: {  	[dreg:$0x1] =	wrdreg $0xFFFFFFFF  }
0xb1: {  	[dreg:$0x0] =	wrdreg $0x60  }
0xb2: {  	[dreg:$0x2] =	wrdreg s2  }
0xb3: {  	[dreg:$0x3] =	wrdreg s19  }
0xb4: {  	[dreg:$0x4] =	wrdreg s4  }
0xb5: {  	[dreg:$0x5] =	wrdreg s5  }
0xb6: {  	[dreg:$0x6] =	wrdreg s6  }
0xb7: {  	[dreg:$0x7] =	wrdreg $0x9  }
0xb8: {  	_ =	task.clear_ibuf [dreg:s11], $0x8FFFF;
	_ =	strace $0x90000046  }
0xb9: {  	s29 =	simm.s32 $0x9;
	_ =	strace $0x80000048  }
0xba: {  	_ =	swait.ge [sflag:s29], $0x1  }
0xbb: {  	[sflag:s29] =	ssyncadd.s32 $0xFFFFFFFF  }
0xbc: {  	_ =	strace $0x90000048  }
0xbd: {  	_ =	sfence  }
0xbe: {  	s30 =	sld [smem:$0x0];
	_ =	sdelay $0x2  }
0xbf: {  	s31 =	sshll.u32 s1, $0xD;
	s1 =	sshrl.u32 s1, $0x2  }
0xc0: {  	s3 =	sand.u32 $0x4000, s31;
	s1 =	sadd.s32 s1, s30  }
0xc1: {  	s0 =	sor.u32 s3, s0;
	s1 =	sshll.u32 s1, $0x11  }
0xc2: {  	s0 =	sor.u32 s1, s0  }
0xc3: {  	s0 =	sadd.s32 $0x8F2B, s0  }
0xc4: {  	[sflag:s0] =	ssyncadd.remote.s32 $0x1  }
0xc5: {  	_ =	sfence.sel $0xFFFF  }
0xc6: {  	[dreg:$0x0] =	wrdreg $0xFFFFFFFF;
	(pc) =	sbr.abs _section_cstart, $3  }
0xc7: {  	[dreg:$0x1] =	wrdreg $0xFFFFFFFF  }
0xc8: {  	_ =	task.clear_ibuf [dreg:s11], $0x2FFFF;
	_ =	strace $0x9FFFFFFF  }
0xc9: {  	(tm) =	ssettm $0x7FFFFFFF  }
tec
execute0_lowered:
.L_overlay_start_1:
0x0: {  	(tag) =	ssettag $0x1  }
0x1: {  	s4 =	rddreg [dreg:$0x3]  }
0x2: {  	s0 =	rddreg [dreg:$0x4]  }
0x3: {  	s1 =	srdreg.scid;
	s5 =	simm.s32 $0x0;
	s6 =	stileid.u32  }
0x4: {  	s11 =	simm.s32 $0x3;
	s16 =	simm.s32 $0x8900;
	s12 =	simm.s32 $0x12100  }
0x5: {  	s13 =	simm.s32 $0x12900;
	s9 =	simm.s32 $0x13100;
	s14 =	simm.s32 $0x13900  }
0x6: {  	s15 =	simm.s32 $0x14100;
	s7 =	simm.s32 $0x14900;
	s17 =	simm.s32 $0x15100  }
0x7: {  	s18 =	simm.s32 $0x15900;
	s19 =	simm.s32 $0x16100;
	s20 =	simm.s32 $0x16900  }
0x8: {  	s21 =	simm.s32 $0x17100;
	s22 =	simm.s32 $0x17900;
	s23 =	simm.s32 $0x18100  }
0x9: {  	s24 =	simm.s32 $0x2;
	s26 =	simm.s32 $0x0;
	s1 =	sand.u32 $0x1, s1  }
0xa: {  	[smem:$0x7FF] =	sst s5;
	s29 =	sshll.u32 s6, $0x12;
	s8 =	sadd.s32 $0x100, s4  }
0xb: {  	s30 =	sor.u32 $0x8000, s6;
	s31 =	sor.u32 $0x8080, s6;
	s6 =	simm.s32 $0x1  }
0xc: {  	s2 =	ssub.s32 $0x2, s1;
	_ =	strace $0x80000047;
	s28 =	sshll.u32 s1, $0xB  }
.Ltmp0:
0xd: {  	s0 =	sadd.s32 s29, s0;
	[dreg:$0x8] =	wrdreg s30;
	(pc) =	sbr.rel .LBB2_1-.Ltmp0, $4  }
0xe: {  	s1 =	sshll.u32 s1, $0x11;
	[dreg:$0x9] =	wrdreg s31;
	s3 =	sshrl.u32 s2, $0x1  }
0xf: {  	v0 =	vlaneseq.u32;
	[dreg:$0x6] =	wrdreg s28;
	s10 =	sadd.s32 s1, s0;
	s2 =	ssub.s32 s2, s3  }
0x10: {  	vm0 =	vmmov $0xffff;
	v2 =	vshrl.u32 v0, $0x3;
	s0 =	simm.s32 $0x10100;
	s1 =	simm.s32 $0x10900;
	s2 =	smax.u32 s2, $0x1  }
0x11: {  	v1 =	vand.u32 $0x7, v0;
	v3 =	vor.u32 $0x8, v0;
	v2 =	vmul.u32 $0x8, v2;
	s3 =	simm.s32 $0x11900;
	[dreg:$0x7] =	wrdreg s2;
	s2 =	simm.s32 $0x11100  }
.LBB2_7:
0x12: {  	s26 =	rddreg [dreg:$0xa]  }
0x13: {  	s25 =	rddreg [dreg:$0x7];
	s26 =	sadd.s32 $0x1, s26  }
0x14: {  	p0 =	sne.s32 s26, s25  }
.Ltmp1:
0x15: {  	_ = 	snop;
	(pc) =	sbr.rel @!p0 .LBB2_8-.Ltmp1, $1  }
0x16: {  	_ =	sdelay $0x3  }
.LBB2_1:
0x17: {  	[dreg:$0xa] =	wrdreg s26  }
0x18: {  	s25 =	rddreg [dreg:$0x0]  }
0x19: {  	[tilespmem:s5], [sflag:$0x3] =	stream.linear.gather [hbm4b:s25+s5], $0x8000, $0x38;
	[tilespmem:$0x18900] =	vst v63  }
0x1a: {  	_ =	swait.ge [sflag:s11], $0x8000  }
0x1b: {  	[sflag:s11] =	ssyncset.done $0x0  }
0x1c: {  	[sflag:s11] =	ssyncadd.s32 $0xFFFF8000  }
0x1d: {  	s31 =	simm.s32 $0x8000;
	s30 =	rddreg [dreg:$0x1]  }
0x1e: {  	[tilespmem:s31], [sflag:$0x3] =	stream.linear.gather [hbm4b:s30+s5], $0x10, $0x38;
	[tilespmem:$0x18900] =	vst v63  }
0x1f: {  	_ =	swait.ge [sflag:s11], $0x10  }
0x20: {  	[sflag:s11] =	ssyncset.done $0x0  }
0x21: {  	[sflag:s11] =	ssyncadd.s32 $0xFFFFFFF0  }
0x22: {  	s31 =	simm.s32 $0x8080;
	s30 =	rddreg [dreg:$0x2]  }
0x23: {  	[tilespmem:s31], [sflag:$0x3] =	stream.linear.gather [hbm4b:s30+s5], $0x10, $0x38;
	[tilespmem:$0x18900] =	vst v63  }
0x24: {  	_ =	swait.ge [sflag:s11], $0x10  }
0x25: {  	[sflag:s11] =	ssyncset.done $0x0  }
0x26: {  	s26 =	rddreg [dreg:$0x8];
	[sflag:s11] =	ssyncadd.s32 $0xFFFFFFF0  }
0x27: {  	v6 =	vld.msk [tilespmem:s26+$0x0 ss:$0x0], $0xffff;
	_ =	sdelay $0x2  }
0x28: {  	s30 =	rddreg [dreg:$0x6]  }
0x29: {  	v5 =	vor.u32 s30, v0  }
0x2a: {  	v4 =	vadd.s32 v6, v5  }
0x2b: {  	vm1 =	vgt.s32 v4, $0x0  }
0x2c: {  	v7 =	vnsel vm1, $0x0, v4  }
0x2d: {  	v8 =	vmin.u32 v7, $0x7FFF;
	_ =	sdelay $0x2  }
0x2e: {  	s31 =	rddreg [dreg:$0x9];
	s28 =	sadd.s32 $0x10, s30  }
0x2f: {  	s29 =	simm.s32 $0x80;
	s25 =	simm.s32 $0x40;
	s26 =	simm.s32 $0x0;
	v4 =	vld.msk [tilespmem:s31+$0x0 ss:$0x0], $0xffff;
	v7 =	vor.u32 s28, v0  }
.LBB2_2:
0x30: {  	p0 =	sne.s32 s29, $0x1FC0;
	v9 =	vadd.s32 v6, v7;
	v10 =	vld.idx.msk [tilespmem:v8+s5+$0x0], $0xffff  }
0x31: {  	vm1 =	vgt.s32 v9, $0x0  }
0x32: {  	v8 =	vnsel vm1, $0x0, v9  }
.Ltmp2:
0x33: {  	v8 =	vmin.u32 v8, $0x7FFF;
	(pc) =	sbr.rel @p0 .LBB2_2-.Ltmp2, $4  }
0x34: {  	_ = 	snop  }
0x35: {  	vm1 =	vlt.s32 v5, v4;
	v5 =	vmov v7  }
0x36: {  	s28 =	sadd.s32 $0x10, s28;
	s30 =	sshra.s32 s26, $0x2;
	s26 =	smov.u32 s25;
	v9 =	vnsel vm1, $0x186A0, v10  }
0x37: {  	s25 =	smov.u32 s29;
	s29 =	sadd.s32 $0x40, s29;
	v7 =	vor.u32 s28, v0;
	[tilespmem:s30+$0x8100] =	vst v9  }
0x38: {  	_ =	sdelay $0x2  }
0x39: {  	v6 =	vadd.s32 v6, v7  }
0x3a: {  	v8 =	vld.idx.msk [tilespmem:v8+s5+$0x0], $0xffff;
	vm1 =	vgt.s32 v6, $0x0  }
0x3b: {  	v6 =	vnsel vm1, $0x0, v6  }
0x3c: {  	v6 =	vmin.u32 v6, $0x7FFF;
	_ =	sdelay $0x1  }
0x3d: {  	vm1 =	vlt.s32 v5, v4  }
0x3e: {  	s26 =	sshra.s32 s26, $0x2;
	v5 =	vnsel vm1, $0x186A0, v8  }
0x3f: {  	[tilespmem:s26+$0x8100] =	vst v5  }
0x40: {  	v5 =	vld.idx.msk [tilespmem:v6+s5+$0x0], $0xffff;
	_ =	sdelay $0x3  }
0x41: {  	vm1 =	vlt.s32 v7, v4  }
0x42: {  	s25 =	sshra.s32 s25, $0x2;
	v4 =	vnsel vm1, $0x186A0, v5  }
0x43: {  	[tilespmem:s25+$0x8100] =	vst v4  }
0x44: {  	v4 =	vld [tilespmem:$0x8100];
	_ =	sdelay $0x4  }
0x45: {  	v5 =	vshll.u32 v4, $0x2  }
0x46: {  	v4 =	vand.u32 $0x7, v4;
	v5 =	vand.u32 $0xFFFFFFE0, v5  }
0x47: {  	v4 =	vor.u32 v4, v5  }
0x48: {  	v5 =	vperm.xlane v4, v1;
	_ =	sdelay $0x1  }
0x49: {  	v5 =	vadd.s32 v2, v5;
	_ =	sdelay $0x1  }
0x4a: {  	v4 =	vperm.xlane v4, v3;
	_ =	sdelay $0x1  }
0x4b: {  	s25 =	simm.s32 $0x0;
	v4 =	vadd.s32 v2, v4  }
0x4c: {  	[tilespmem:s16], [sflag:$0x1] =	stream.indirect_vreg.gather [hbm4b:s4+s25], $0x80, v5, vm0, $0xb8;
	[tilespmem:$0x18900] =	vst v63  }
0x4d: {  	s29 =	simm.s32 $0x9100  }
0x4e: {  	[tilespmem:s29], [sflag:$0x1] =	stream.indirect_vreg.gather [hbm4b:s8+s25], $0x80, v5, vm0, $0xb8;
	[tilespmem:$0x18900] =	vst v63  }
0x4f: {  	s30 =	simm.s32 $0x9900  }
0x50: {  	[tilespmem:s30], [sflag:$0x1] =	stream.indirect_vreg.gather [hbm4b:s4+s25], $0x80, v4, vm0, $0xb8;
	[tilespmem:$0x18900] =	vst v63  }
0x51: {  	s28 =	simm.s32 $0xA100  }
0x52: {  	[tilespmem:s28], [sflag:$0x1] =	stream.indirect_vreg.gather [hbm4b:s8+s25], $0x80, v4, vm0, $0xb8;
	[tilespmem:$0x18900] =	vst v63  }
0x53: {  	v4 =	vld [tilespmem:$0x8110];
	_ =	sdelay $0x4  }
0x54: {  	v5 =	vshll.u32 v4, $0x2  }
0x55: {  	v4 =	vand.u32 $0x7, v4;
	v5 =	vand.u32 $0xFFFFFFE0, v5  }
0x56: {  	v4 =	vor.u32 v4, v5  }
0x57: {  	v5 =	vperm.xlane v4, v1;
	_ =	sdelay $0x1  }
0x58: {  	v5 =	vadd.s32 v2, v5;
	_ =	sdelay $0x1  }
0x59: {  	v4 =	vperm.xlane v4, v3;
	_ =	sdelay $0x1  }
0x5a: {  	s31 =	simm.s32 $0xA900;
	v4 =	vadd.s32 v2, v4  }
0x5b: {  	[tilespmem:s31], [sflag:$0x1] =	stream.indirect_vreg.gather [hbm4b:s4+s25], $0x80, v5, vm0, $0xb8;
	[tilespmem:$0x18900] =	vst v63  }
0x5c: {  	s28 =	simm.s32 $0xB100  }
0x5d: {  	[tilespmem:s28], [sflag:$0x1] =	stream.indirect_vreg.gather [hbm4b:s8+s25], $0x80, v5, vm0, $0xb8;
	[tilespmem:$0x18900] =	vst v63  }
0x5e: {  	s31 =	simm.s32 $0xB900  }
0x5f: {  	[tilespmem:s31], [sflag:$0x1] =	stream.indirect_vreg.gather [hbm4b:s4+s25], $0x80, v4, vm0, $0xb8;
	[tilespmem:$0x18900] =	vst v63  }
0x60: {  	s28 =	simm.s32 $0xC100  }
0x61: {  	[tilespmem:s28], [sflag:$0x1] =	stream.indirect_vreg.gather [hbm4b:s8+s25], $0x80, v4, vm0, $0xb8;
	[tilespmem:$0x18900] =	vst v63  }
0x62: {  	v4 =	vld [tilespmem:$0x8120];
	_ =	sdelay $0x4  }
0x63: {  	v5 =	vshll.u32 v4, $0x2  }
0x64: {  	v4 =	vand.u32 $0x7, v4;
	v5 =	vand.u32 $0xFFFFFFE0, v5  }
0x65: {  	v4 =	vor.u32 v4, v5  }
0x66: {  	v5 =	vperm.xlane v4, v1;
	_ =	sdelay $0x1  }
0x67: {  	v5 =	vadd.s32 v2, v5;
	_ =	sdelay $0x1  }
0x68: {  	v4 =	vperm.xlane v4, v3;
	_ =	sdelay $0x1  }
0x69: {  	s31 =	simm.s32 $0xC900;
	v4 =	vadd.s32 v2, v4  }
0x6a: {  	[tilespmem:s31], [sflag:$0x1] =	stream.indirect_vreg.gather [hbm4b:s4+s25], $0x80, v5, vm0, $0xb8;
	[tilespmem:$0x18900] =	vst v63  }
0x6b: {  	s28 =	simm.s32 $0xD100  }
0x6c: {  	[tilespmem:s28], [sflag:$0x1] =	stream.indirect_vreg.gather [hbm4b:s8+s25], $0x80, v5, vm0, $0xb8;
	[tilespmem:$0x18900] =	vst v63  }
0x6d: {  	s31 =	simm.s32 $0xD900  }
0x6e: {  	[tilespmem:s31], [sflag:$0x1] =	stream.indirect_vreg.gather [hbm4b:s4+s25], $0x80, v4, vm0, $0xb8;
	[tilespmem:$0x18900] =	vst v63  }
0x6f: {  	s28 =	simm.s32 $0xE100  }
0x70: {  	[tilespmem:s28], [sflag:$0x1] =	stream.indirect_vreg.gather [hbm4b:s8+s25], $0x80, v4, vm0, $0xb8;
	[tilespmem:$0x18900] =	vst v63  }
0x71: {  	v4 =	vld [tilespmem:$0x8130];
	_ =	sdelay $0x4  }
0x72: {  	v5 =	vshll.u32 v4, $0x2  }
0x73: {  	v4 =	vand.u32 $0x7, v4;
	v5 =	vand.u32 $0xFFFFFFE0, v5  }
0x74: {  	v4 =	vor.u32 v4, v5  }
0x75: {  	v5 =	vperm.xlane v4, v1;
	_ =	sdelay $0x1  }
0x76: {  	v5 =	vadd.s32 v2, v5;
	_ =	sdelay $0x2  }
0x77: {  	v4 =	vperm.xlane v4, v3  }
0x78: {  	s31 =	simm.s32 $0xE900  }
0x79: {  	v4 =	vadd.s32 v2, v4;
	[tilespmem:s31], [sflag:$0x1] =	stream.indirect_vreg.gather [hbm4b:s4+s25], $0x80, v5, vm0, $0xb8;
	[tilespmem:$0x18900] =	vst v63  }
0x7a: {  	s28 =	simm.s32 $0xF100  }
0x7b: {  	[tilespmem:s28], [sflag:$0x1] =	stream.indirect_vreg.gather [hbm4b:s8+s25], $0x80, v5, vm0, $0xb8;
	[tilespmem:$0x18900] =	vst v63  }
.Ltmp3:
0x7c: {  	_ = 	snop;
	(pc) =	sbr.rel .LBB2_4-.Ltmp3, $4  }
0x7d: {  	s31 =	simm.s32 $0xF900  }
0x7e: {  	[tilespmem:s31], [sflag:$0x1] =	stream.indirect_vreg.gather [hbm4b:s4+s25], $0x80, v4, vm0, $0xb8;
	[tilespmem:$0x18900] =	vst v63  }
0x7f: {  	s26 =	simm.s32 $0x8160  }
0x80: {  	[tilespmem:s0], [sflag:$0x1] =	stream.indirect_vreg.gather [hbm4b:s8+s25], $0x80, v4, vm0, $0xb8;
	[tilespmem:$0x18900] =	vst v63  }
.LBB2_6:
0x81: {  	s25 =	sadd.s32 $0x2000, s25  }
0x82: {  	p0 =	sne.s32 s25, $0x20000  }
.Ltmp4:
0x83: {  	s28 =	sadd.s32 $0x1000, s28;
	(pc) =	sbr.rel @!p0 .LBB2_7-.Ltmp4, $4  }
0x84: {  	[hbm4b:s28+s5] =	stream.linear.scatter [tilespmem:s1], [sflag:$0x3], $0x8000, $0x38;
	[tilespmem:$0x18900] =	vst v63  }
0x85: {  	_ =	swait.ge [sflag:s11], $0x8000  }
0x86: {  	[sflag:s11] =	ssyncset.done $0x0  }
0x87: {  	s26 =	sadd.s32 $0x80, s26;
	[sflag:s11] =	ssyncadd.s32 $0xFFFF8000  }
.LBB2_4:
0x88: {  	_ =	swait.ge [sflag:s6], $0x8000  }
0x89: {  	[sflag:s6] =	ssyncset.done $0x0  }
0x8a: {  	[sflag:s6] =	ssyncadd.s32 $0xFFFF8000  }
0x8b: {  	v4 =	vld [tilespmem:s26+$0xFFFFFFE0];
	_ =	sdelay $0x4  }
0x8c: {  	v5 =	vshll.u32 v4, $0x2  }
0x8d: {  	v4 =	vand.u32 $0x7, v4;
	v5 =	vand.u32 $0xFFFFFFE0, v5  }
0x8e: {  	v4 =	vor.u32 v4, v5  }
0x8f: {  	v5 =	vperm.xlane v4, v1;
	_ =	sdelay $0x1  }
0x90: {  	v5 =	vadd.s32 v2, v5;
	_ =	sdelay $0x1  }
0x91: {  	v4 =	vperm.xlane v4, v3;
	_ =	sdelay $0x1  }
0x92: {  	v4 =	vadd.s32 v2, v4  }
0x93: {  	[tilespmem:s1], [sflag:$0x2] =	stream.indirect_vreg.gather [hbm4b:s4+s5], $0x80, v5, vm0, $0xb8;
	[tilespmem:$0x18900] =	vst v63  }
0x94: {  	_ = 	snop  }
0x95: {  	[tilespmem:s2], [sflag:$0x2] =	stream.indirect_vreg.gather [hbm4b:s8+s5], $0x80, v5, vm0, $0xb8;
	[tilespmem:$0x18900] =	vst v63  }
0x96: {  	_ = 	snop  }
0x97: {  	[tilespmem:s3], [sflag:$0x2] =	stream.indirect_vreg.gather [hbm4b:s4+s5], $0x80, v4, vm0, $0xb8;
	[tilespmem:$0x18900] =	vst v63  }
0x98: {  	_ = 	snop  }
0x99: {  	[tilespmem:s12], [sflag:$0x2] =	stream.indirect_vreg.gather [hbm4b:s8+s5], $0x80, v4, vm0, $0xb8;
	[tilespmem:$0x18900] =	vst v63  }
0x9a: {  	v4 =	vld [tilespmem:s26+$0xFFFFFFF0];
	_ =	sdelay $0x4  }
0x9b: {  	v5 =	vshll.u32 v4, $0x2  }
0x9c: {  	v4 =	vand.u32 $0x7, v4;
	v5 =	vand.u32 $0xFFFFFFE0, v5  }
0x9d: {  	v4 =	vor.u32 v4, v5  }
0x9e: {  	v5 =	vperm.xlane v4, v1;
	_ =	sdelay $0x1  }
0x9f: {  	v5 =	vadd.s32 v2, v5;
	_ =	sdelay $0x1  }
0xa0: {  	v4 =	vperm.xlane v4, v3;
	_ =	sdelay $0x1  }
0xa1: {  	v4 =	vadd.s32 v2, v4  }
0xa2: {  	[tilespmem:s13], [sflag:$0x2] =	stream.indirect_vreg.gather [hbm4b:s4+s5], $0x80, v5, vm0, $0xb8;
	[tilespmem:$0x18900] =	vst v63  }
0xa3: {  	_ = 	snop  }
0xa4: {  	[tilespmem:s9], [sflag:$0x2] =	stream.indirect_vreg.gather [hbm4b:s8+s5], $0x80, v5, vm0, $0xb8;
	[tilespmem:$0x18900] =	vst v63  }
0xa5: {  	_ = 	snop  }
0xa6: {  	[tilespmem:s14], [sflag:$0x2] =	stream.indirect_vreg.gather [hbm4b:s4+s5], $0x80, v4, vm0, $0xb8;
	[tilespmem:$0x18900] =	vst v63  }
0xa7: {  	_ = 	snop  }
0xa8: {  	[tilespmem:s15], [sflag:$0x2] =	stream.indirect_vreg.gather [hbm4b:s8+s5], $0x80, v4, vm0, $0xb8;
	[tilespmem:$0x18900] =	vst v63  }
0xa9: {  	v4 =	vld [tilespmem:s26+$0x0];
	_ =	sdelay $0x4  }
0xaa: {  	v5 =	vshll.u32 v4, $0x2  }
0xab: {  	v4 =	vand.u32 $0x7, v4;
	v5 =	vand.u32 $0xFFFFFFE0, v5  }
0xac: {  	v4 =	vor.u32 v4, v5  }
0xad: {  	v5 =	vperm.xlane v4, v1;
	_ =	sdelay $0x1  }
0xae: {  	v5 =	vadd.s32 v2, v5;
	_ =	sdelay $0x1  }
0xaf: {  	v4 =	vperm.xlane v4, v3;
	_ =	sdelay $0x1  }
0xb0: {  	v4 =	vadd.s32 v2, v4  }
0xb1: {  	[tilespmem:s7], [sflag:$0x2] =	stream.indirect_vreg.gather [hbm4b:s4+s5], $0x80, v5, vm0, $0xb8;
	[tilespmem:$0x18900] =	vst v63  }
0xb2: {  	_ = 	snop  }
0xb3: {  	[tilespmem:s17], [sflag:$0x2] =	stream.indirect_vreg.gather [hbm4b:s8+s5], $0x80, v5, vm0, $0xb8;
	[tilespmem:$0x18900] =	vst v63  }
0xb4: {  	_ = 	snop  }
0xb5: {  	[tilespmem:s18], [sflag:$0x2] =	stream.indirect_vreg.gather [hbm4b:s4+s5], $0x80, v4, vm0, $0xb8;
	[tilespmem:$0x18900] =	vst v63  }
0xb6: {  	_ = 	snop  }
0xb7: {  	[tilespmem:s19], [sflag:$0x2] =	stream.indirect_vreg.gather [hbm4b:s8+s5], $0x80, v4, vm0, $0xb8;
	[tilespmem:$0x18900] =	vst v63  }
0xb8: {  	v4 =	vld [tilespmem:s26+$0x10];
	_ =	sdelay $0x4  }
0xb9: {  	v5 =	vshll.u32 v4, $0x2  }
0xba: {  	v4 =	vand.u32 $0x7, v4;
	v5 =	vand.u32 $0xFFFFFFE0, v5  }
0xbb: {  	v4 =	vor.u32 v4, v5  }
0xbc: {  	v5 =	vperm.xlane v4, v1;
	_ =	sdelay $0x1  }
0xbd: {  	v5 =	vadd.s32 v2, v5;
	_ =	sdelay $0x1  }
0xbe: {  	v4 =	vperm.xlane v4, v3;
	_ =	sdelay $0x1  }
0xbf: {  	v4 =	vadd.s32 v2, v4  }
0xc0: {  	[tilespmem:s20], [sflag:$0x2] =	stream.indirect_vreg.gather [hbm4b:s4+s5], $0x80, v5, vm0, $0xb8;
	[tilespmem:$0x18900] =	vst v63  }
0xc1: {  	_ = 	snop  }
0xc2: {  	[tilespmem:s21], [sflag:$0x2] =	stream.indirect_vreg.gather [hbm4b:s8+s5], $0x80, v5, vm0, $0xb8;
	[tilespmem:$0x18900] =	vst v63  }
0xc3: {  	_ = 	snop  }
0xc4: {  	[tilespmem:s22], [sflag:$0x2] =	stream.indirect_vreg.gather [hbm4b:s4+s5], $0x80, v4, vm0, $0xb8;
	[tilespmem:$0x18900] =	vst v63  }
0xc5: {  	_ = 	snop  }
0xc6: {  	[tilespmem:s23], [sflag:$0x2] =	stream.indirect_vreg.gather [hbm4b:s8+s5], $0x80, v4, vm0, $0xb8;
	[tilespmem:$0x18900] =	vst v63  }
0xc7: {  	s28 =	sadd.s32 s25, s10  }
0xc8: {  	[hbm4b:s28+s5] =	stream.linear.scatter [tilespmem:s16], [sflag:$0x3], $0x8000, $0x38;
	[tilespmem:$0x18900] =	vst v63  }
0xc9: {  	p0 =	seq.s32 s25, $0x1E000;
	_ =	swait.ge [sflag:s11], $0x8000  }
.Ltmp5:
0xca: {  	[sflag:s11] =	ssyncset.done $0x0;
	(pc) =	sbr.rel @p0 .LBB2_6-.Ltmp5, $4  }
0xcb: {  	[sflag:s11] =	ssyncadd.s32 $0xFFFF8000  }
0xcc: {  	_ =	swait.ge [sflag:s24], $0x8000  }
0xcd: {  	[sflag:s24] =	ssyncset.done $0x0  }
0xce: {  	[sflag:s24] =	ssyncadd.s32 $0xFFFF8000  }
0xcf: {  	v4 =	vld [tilespmem:s26+$0x20];
	_ =	sdelay $0x4  }
0xd0: {  	v5 =	vshll.u32 v4, $0x2  }
0xd1: {  	v4 =	vand.u32 $0x7, v4;
	v5 =	vand.u32 $0xFFFFFFE0, v5  }
0xd2: {  	v4 =	vor.u32 v4, v5  }
0xd3: {  	v5 =	vperm.xlane v4, v1;
	_ =	sdelay $0x1  }
0xd4: {  	v5 =	vadd.s32 v2, v5;
	_ =	sdelay $0x1  }
0xd5: {  	v4 =	vperm.xlane v4, v3;
	_ =	sdelay $0x1  }
0xd6: {  	v4 =	vadd.s32 v2, v4  }
0xd7: {  	[tilespmem:s16], [sflag:$0x1] =	stream.indirect_vreg.gather [hbm4b:s4+s5], $0x80, v5, vm0, $0xb8;
	[tilespmem:$0x18900] =	vst v63  }
0xd8: {  	_ = 	snop  }
0xd9: {  	[tilespmem:s29], [sflag:$0x1] =	stream.indirect_vreg.gather [hbm4b:s8+s5], $0x80, v5, vm0, $0xb8;
	[tilespmem:$0x18900] =	vst v63  }
0xda: {  	_ = 	snop  }
0xdb: {  	[tilespmem:s30], [sflag:$0x1] =	stream.indirect_vreg.gather [hbm4b:s4+s5], $0x80, v4, vm0, $0xb8;
	[tilespmem:$0x18900] =	vst v63  }
0xdc: {  	s31 =	simm.s32 $0xA100  }
0xdd: {  	[tilespmem:s31], [sflag:$0x1] =	stream.indirect_vreg.gather [hbm4b:s8+s5], $0x80, v4, vm0, $0xb8;
	[tilespmem:$0x18900] =	vst v63  }
0xde: {  	v4 =	vld [tilespmem:s26+$0x30];
	_ =	sdelay $0x4  }
0xdf: {  	v5 =	vshll.u32 v4, $0x2  }
0xe0: {  	v4 =	vand.u32 $0x7, v4;
	v5 =	vand.u32 $0xFFFFFFE0, v5  }
0xe1: {  	v4 =	vor.u32 v4, v5  }
0xe2: {  	v5 =	vperm.xlane v4, v1;
	_ =	sdelay $0x1  }
0xe3: {  	v5 =	vadd.s32 v2, v5;
	_ =	sdelay $0x1  }
0xe4: {  	v4 =	vperm.xlane v4, v3;
	_ =	sdelay $0x1  }
0xe5: {  	s31 =	simm.s32 $0xA900;
	v4 =	vadd.s32 v2, v4  }
0xe6: {  	[tilespmem:s31], [sflag:$0x1] =	stream.indirect_vreg.gather [hbm4b:s4+s5], $0x80, v5, vm0, $0xb8;
	[tilespmem:$0x18900] =	vst v63  }
0xe7: {  	s31 =	simm.s32 $0xB100  }
0xe8: {  	[tilespmem:s31], [sflag:$0x1] =	stream.indirect_vreg.gather [hbm4b:s8+s5], $0x80, v5, vm0, $0xb8;
	[tilespmem:$0x18900] =	vst v63  }
0xe9: {  	s31 =	simm.s32 $0xB900  }
0xea: {  	[tilespmem:s31], [sflag:$0x1] =	stream.indirect_vreg.gather [hbm4b:s4+s5], $0x80, v4, vm0, $0xb8;
	[tilespmem:$0x18900] =	vst v63  }
0xeb: {  	s31 =	simm.s32 $0xC100  }
0xec: {  	[tilespmem:s31], [sflag:$0x1] =	stream.indirect_vreg.gather [hbm4b:s8+s5], $0x80, v4, vm0, $0xb8;
	[tilespmem:$0x18900] =	vst v63  }
0xed: {  	v4 =	vld [tilespmem:s26+$0x40];
	_ =	sdelay $0x4  }
0xee: {  	v5 =	vshll.u32 v4, $0x2  }
0xef: {  	v4 =	vand.u32 $0x7, v4;
	v5 =	vand.u32 $0xFFFFFFE0, v5  }
0xf0: {  	v4 =	vor.u32 v4, v5  }
0xf1: {  	v5 =	vperm.xlane v4, v1;
	_ =	sdelay $0x1  }
0xf2: {  	v5 =	vadd.s32 v2, v5;
	_ =	sdelay $0x1  }
0xf3: {  	v4 =	vperm.xlane v4, v3;
	_ =	sdelay $0x1  }
0xf4: {  	s31 =	simm.s32 $0xC900;
	v4 =	vadd.s32 v2, v4  }
0xf5: {  	[tilespmem:s31], [sflag:$0x1] =	stream.indirect_vreg.gather [hbm4b:s4+s5], $0x80, v5, vm0, $0xb8;
	[tilespmem:$0x18900] =	vst v63  }
0xf6: {  	s31 =	simm.s32 $0xD100  }
0xf7: {  	[tilespmem:s31], [sflag:$0x1] =	stream.indirect_vreg.gather [hbm4b:s8+s5], $0x80, v5, vm0, $0xb8;
	[tilespmem:$0x18900] =	vst v63  }
0xf8: {  	s31 =	simm.s32 $0xD900  }
0xf9: {  	[tilespmem:s31], [sflag:$0x1] =	stream.indirect_vreg.gather [hbm4b:s4+s5], $0x80, v4, vm0, $0xb8;
	[tilespmem:$0x18900] =	vst v63  }
0xfa: {  	s31 =	simm.s32 $0xE100  }
0xfb: {  	[tilespmem:s31], [sflag:$0x1] =	stream.indirect_vreg.gather [hbm4b:s8+s5], $0x80, v4, vm0, $0xb8;
	[tilespmem:$0x18900] =	vst v63  }
0xfc: {  	v4 =	vld [tilespmem:s26+$0x50];
	_ =	sdelay $0x4  }
0xfd: {  	v5 =	vshll.u32 v4, $0x2  }
0xfe: {  	v4 =	vand.u32 $0x7, v4;
	v5 =	vand.u32 $0xFFFFFFE0, v5  }
0xff: {  	v4 =	vor.u32 v4, v5  }
0x100: {  	v5 =	vperm.xlane v4, v1;
	_ =	sdelay $0x1  }
0x101: {  	v5 =	vadd.s32 v2, v5;
	_ =	sdelay $0x2  }
0x102: {  	v4 =	vperm.xlane v4, v3  }
0x103: {  	s31 =	simm.s32 $0xE900  }
0x104: {  	v4 =	vadd.s32 v2, v4;
	[tilespmem:s31], [sflag:$0x1] =	stream.indirect_vreg.gather [hbm4b:s4+s5], $0x80, v5, vm0, $0xb8;
	[tilespmem:$0x18900] =	vst v63  }
0x105: {  	s31 =	simm.s32 $0xF100  }
0x106: {  	[tilespmem:s31], [sflag:$0x1] =	stream.indirect_vreg.gather [hbm4b:s8+s5], $0x80, v5, vm0, $0xb8;
	[tilespmem:$0x18900] =	vst v63  }
.Ltmp6:
0x107: {  	_ = 	snop;
	(pc) =	sbr.rel .LBB2_6-.Ltmp6, $4  }
0x108: {  	s31 =	simm.s32 $0xF900  }
0x109: {  	[tilespmem:s31], [sflag:$0x1] =	stream.indirect_vreg.gather [hbm4b:s4+s5], $0x80, v4, vm0, $0xb8;
	[tilespmem:$0x18900] =	vst v63  }
0x10a: {  	_ = 	snop  }
0x10b: {  	[tilespmem:s0], [sflag:$0x1] =	stream.indirect_vreg.gather [hbm4b:s8+s5], $0x80, v4, vm0, $0xb8;
	[tilespmem:$0x18900] =	vst v63  }
.LBB2_8:
0x10c: {  	_ =	sfence.sel $0x180000  }
0x10d: {  	[bflag:$0x0] =	sbarrier.arrive $0xFFFF  }
0x10e: {  	_ =	strace $0x90000047  }
0x10f: {  	s0 =	stileid.u32;
	[bflag:$0x2] =	sbarrier.arrive $0xFFFF  }
0x110: {  	p0 =	sne.s32 s0, $0x0;
	s0 =	rddreg [dreg:$0x5]  }
0x111: {  	s0 =	sadd.s32 @!p0 $0x100000, s0  }
0x112: {  	[sflag:s0] =	ssyncadd.tile.s32 @!p0 $0x1;
	_ =	shalt  }
.Lfunc_end2:
_tile_overlayer_lowered:
.L_overlay_start_2:
0x113: {  	(tag) =	ssettag $0x2  }
0x114: {  	s0 =	rddreg [dreg:$0x0];
	s2 =	stileid.u32  }
0x115: {  	s1 =	rddreg [dreg:$0x1];
	p0 =	sne.s32 s2, $0x0  }
0x116: {  	s3 =	rddreg [dreg:$0x2];
	[bflag:$0x3] =	sbarrier.arrive $0xFFFF;
	s2 =	simm.s32 @!p0 $0x1C03  }
0x117: {  	[timem:s3], [sflag:s2] =	dma.local @!p0 [hbm:s0], s1  }
0x118: {  	s0 =	simm.s32 @!p0 $0x3  }
0x119: {  	_ =	swait.ge @!p0 [sflag:s0], s1  }
0x11a: {  	s1 =	ssub.s32 @!p0 $0x0, s1;
	[sflag:s0] =	ssyncset.done @!p0 $0x0  }
0x11b: {  	[sflag:s0] =	ssyncadd.s32 @!p0 s1  }
0x11c: {  	[bflag:$0x3] =	sbarrier.arrive $0xFFFF  }
0x11d: {  	_ =	shalt  }

</sc_bundles>
